<compile_context>
chip_gen: v7x
topology: tpu7x:2x2x1
jax: 0.10.2.dev20260603
libtpu: 0.0.44.dev20260713+nightly
codegen_flags: <defaults>
</compile_context>

<pallas_src>
import jax
import jax.numpy as jnp
from jax import lax
from jax.experimental import pallas as pl
from jax.experimental.pallas import tpu as pltpu
from jax.experimental.pallas import tpu_sc as plsc

N_ROWS = 16384
D = 64
L = 16
NUM_CORES = 2
NUM_SUBCORES = 16
NW = NUM_CORES * NUM_SUBCORES
THRESHOLD = 0.01
W = N_ROWS // NW


def _row_topk_softmax(x):
  s0 = lax.sort(x[0])
  s1 = lax.sort(x[1])
  s2 = lax.sort(x[2])
  s3 = lax.sort(x[3])
  h1 = jnp.maximum(s0, lax.rev(s1, (0,)))
  h2 = jnp.maximum(s2, lax.rev(s3, (0,)))
  h = jnp.maximum(lax.sort(h1), lax.rev(lax.sort(h2), (0,)))
  hs = lax.sort(h)
  m = hs[jnp.full((L,), 15, jnp.int32)]
  t8 = hs[jnp.full((L,), 8, jnp.int32)]
  e = [jnp.exp(v - m) for v in x]
  s = jnp.sum((e[0] + e[1]) + (e[2] + e[3]))
  inv = jnp.full((L,), 1.0, jnp.float32) / jnp.broadcast_to(s, (L,))
  p = [v * inv for v in e]
  thr = jnp.float32(THRESHOLD)
  return [
      jnp.where((v >= t8) & (q >= thr), q, jnp.float32(0.0))
      for v, q in zip(x, p)
  ]


def _sc_body(x_hbm, out_hbm, in_v, out_v):
  wid = lax.axis_index("s") * NUM_CORES + lax.axis_index("c")
  base = wid * W
  pltpu.sync_copy(x_hbm.at[pl.ds(base, W)], in_v)

  def row_step(c):
    x = [in_v[c, pl.ds(16 * q, L)] for q in range(4)]
    o = _row_topk_softmax(x)
    for q in range(4):
      out_v[c, pl.ds(16 * q, L)] = o[q]

  plsc.parallel_loop(0, W, 1, unroll=2)(row_step)

  pltpu.sync_copy(out_v, out_hbm.at[pl.ds(base, W)])


def _sc_run(x):
  mesh = plsc.VectorSubcoreMesh(core_axis_name="c", subcore_axis_name="s")
  f = pl.kernel(
      _sc_body,
      out_type=jax.ShapeDtypeStruct((N_ROWS, D), jnp.float32),
      mesh=mesh,
      scratch_types=[
          pltpu.VMEM((W, D), jnp.float32),
          pltpu.VMEM((W, D), jnp.float32),
      ],
      compiler_params=pltpu.CompilerParams(
          needs_layout_passes=False, use_tc_tiling_on_sc=True),
  )
  return f(x)


@jax.jit
def kernel(inputs):
  return _sc_run(inputs)

# --- scband reference (transcript-rebuilt; emitter-appended) ---
"""Pipeline reference for scband-custom-softmax-experts-47571057771179 (READ-ONLY COPY).

The authoritative reference and input builder live on the scoring server;
editing this copy changes nothing except your own understanding.
"""

import jax, jax.numpy as jnp
import numpy as np

EXPERTS_NEEDED = 8
THRESHOLD = 0.01

def setup_inputs(seed: int = 0) -> dict:
    key = jax.random.key(seed)
    inputs = jax.random.normal(key, (16384, 64), dtype=jnp.float32)
    return {"inputs": inputs}

def reference(inputs):
    softmax_x = jax.nn.softmax(inputs, axis=-1)
    top_k_values, _ = jax.lax.top_k(softmax_x, EXPERTS_NEEDED)
    threshold_value_topk = top_k_values[..., -1:]  # expand_dims(top_k_values[..., -1], -1)
    mask_topk = softmax_x >= threshold_value_topk
    mask_threshold = softmax_x >= jnp.float32(THRESHOLD)
    combined_mask = jnp.logical_and(mask_topk, mask_threshold)
    custom_output = jnp.where(combined_mask, softmax_x, jnp.float32(0.0))
    return custom_output

if __name__ == "__main__":
    import jax
    _d = setup_inputs()
    print(jax.jit(kernel)(*tuple(_d.values())))

</pallas_src>

<mosaic_0001>
#map = affine_map<(d0, d1) -> (0, 0)>
module attributes {stable_mosaic.version = 14 : i64} {
  func.func @_sc_body(%arg0: i32, %arg1: i32, %arg2: memref<16384x64xf32, #tpu.memory_space<hbm>>, %arg3: memref<16384x64xf32, #tpu.memory_space<hbm>>, %arg4: memref<512x64xf32, #tpu.memory_space<vmem>>, %arg5: memref<512x64xf32, #tpu.memory_space<vmem>>) attributes {dimension_semantics = [#tpu.dimension_semantics<core_parallel>, #tpu.dimension_semantics<subcore_parallel>], iteration_bounds = array<i64: 2, 16>, scalar_prefetch = 0 : i64, scratch_operands = 2 : i64, tpu.core_type = #tpu.core_type<sc_vector_subcore>, window_params = [{transform_indices = #map}, {transform_indices = #map}]} {
    %mul3A = arith.constant 2 : i32
    %mul3A_0 = arith.muli %arg1, %mul3A : i32
    %add3A = arith.addi %mul3A_0, %arg0 : i32
    %mul3A_1 = arith.constant 512 : i32
    %mul3A_2 = arith.muli %add3A, %mul3A_1 : i32
    "tpu.region"() ({
      %run_scoped3A = tpu.sem_alloc : memref<!tpu.dma_semaphore, #tpu.memory_space<semaphore_mem>>
      %dma_start3A = arith.constant 0 : i32
      %dma_start3A_5 = tpu.memref_slice %arg2[%mul3A_2, %dma_start3A] : memref<16384x64xf32, #tpu.memory_space<hbm>> -> memref<512x64xf32, #tpu.memory_space<hbm>>
      %dma_start3A_6 = arith.constant 0 : i32
      %dma_start3A_7 = tpu.memref_slice %arg2[%mul3A_2, %dma_start3A_6] : memref<16384x64xf32, #tpu.memory_space<hbm>> -> memref<512x64xf32, #tpu.memory_space<hbm>>
      tpu.enqueue_dma source(%dma_start3A_7 : memref<512x64xf32, #tpu.memory_space<hbm>>) target(%arg4 : memref<512x64xf32, #tpu.memory_space<vmem>>) target_semaphore(%run_scoped3A : memref<!tpu.dma_semaphore, #tpu.memory_space<semaphore_mem>>)
      %dma_wait3A = arith.constant 0 : i32
      %dma_wait3A_8 = tpu.memref_slice %arg2[%mul3A_2, %dma_wait3A] : memref<16384x64xf32, #tpu.memory_space<hbm>> -> memref<512x64xf32, #tpu.memory_space<hbm>>
      %dma_wait3A_9 = arith.constant 0 : i32
      %dma_wait3A_10 = tpu.memref_slice %arg2[%mul3A_2, %dma_wait3A_9] : memref<16384x64xf32, #tpu.memory_space<hbm>> -> memref<512x64xf32, #tpu.memory_space<hbm>>
      tpu.wait_dma2 semaphore(%run_scoped3A : memref<!tpu.dma_semaphore, #tpu.memory_space<semaphore_mem>>) src(%dma_wait3A_10 : memref<512x64xf32, #tpu.memory_space<hbm>>) dst(%arg4 : memref<512x64xf32, #tpu.memory_space<vmem>>)
      tpu.yield
    }) : () -> ()
    %parallel_loop3A = arith.constant 0 : i32
    %parallel_loop3A_3 = arith.constant 512 : i32
    %parallel_loop3A_4 = arith.constant 1 : i32
    scf.for %parallel_loop3A_5 = %parallel_loop3A to %parallel_loop3A_3 step %parallel_loop3A_4  : i32 {
      %parallel_loop3A_6 = arith.index_cast %parallel_loop3A_5 : i32 to index
      %parallel_loop3A_7 = arith.constant 0 : index
      %parallel_loop3A_8 = tpu.vector_load %arg4[%parallel_loop3A_6, %parallel_loop3A_7] {strides = array<i32>} : memref<512x64xf32, #tpu.memory_space<vmem>>, vector<16xf32>,
      %parallel_loop3A_9 = arith.index_cast %parallel_loop3A_5 : i32 to index
      %parallel_loop3A_10 = arith.constant 16 : index
      %parallel_loop3A_11 = tpu.vector_load %arg4[%parallel_loop3A_9, %parallel_loop3A_10] {strides = array<i32>} : memref<512x64xf32, #tpu.memory_space<vmem>>, vector<16xf32>,
      %parallel_loop3A_12 = arith.index_cast %parallel_loop3A_5 : i32 to index
      %parallel_loop3A_13 = arith.constant 32 : index
      %parallel_loop3A_14 = tpu.vector_load %arg4[%parallel_loop3A_12, %parallel_loop3A_13] {strides = array<i32>} : memref<512x64xf32, #tpu.memory_space<vmem>>, vector<16xf32>,
      %parallel_loop3A_15 = arith.index_cast %parallel_loop3A_5 : i32 to index
      %parallel_loop3A_16 = arith.constant 48 : index
      %parallel_loop3A_17 = tpu.vector_load %arg4[%parallel_loop3A_15, %parallel_loop3A_16] {strides = array<i32>} : memref<512x64xf32, #tpu.memory_space<vmem>>, vector<16xf32>,
      %parallel_loop3A_18 = arith.constant dense<true> : vector<16xi1>
      %parallel_loop3A_19, %parallel_loop3A_20, %parallel_loop3A_21 = tpu.sort %parallel_loop3A_8, %parallel_loop3A_8 masked %parallel_loop3A_18 : (vector<16xf32>, vector<16xf32>, vector<16xi1>) -> (vector<16xi1>, vector<16xf32>, vector<16xf32>)
      %parallel_loop3A_22 = arith.constant dense<true> : vector<16xi1>
      %parallel_loop3A_23, %parallel_loop3A_24, %parallel_loop3A_25 = tpu.sort %parallel_loop3A_11, %parallel_loop3A_11 masked %parallel_loop3A_22 : (vector<16xf32>, vector<16xf32>, vector<16xi1>) -> (vector<16xi1>, vector<16xf32>, vector<16xf32>)
      %parallel_loop3A_26 = arith.constant dense<true> : vector<16xi1>
      %parallel_loop3A_27, %parallel_loop3A_28, %parallel_loop3A_29 = tpu.sort %parallel_loop3A_14, %parallel_loop3A_14 masked %parallel_loop3A_26 : (vector<16xf32>, vector<16xf32>, vector<16xi1>) -> (vector<16xi1>, vector<16xf32>, vector<16xf32>)
      %parallel_loop3A_30 = arith.constant dense<true> : vector<16xi1>
      %parallel_loop3A_31, %parallel_loop3A_32, %parallel_loop3A_33 = tpu.sort %parallel_loop3A_17, %parallel_loop3A_17 masked %parallel_loop3A_30 : (vector<16xf32>, vector<16xf32>, vector<16xi1>) -> (vector<16xi1>, vector<16xf32>, vector<16xf32>)
      %parallel_loop3A_34 = arith.constant 15 : i32
      %parallel_loop3A_35 = vector.broadcast %parallel_loop3A_34 : i32 to vector<16xi32>
      %parallel_loop3A_36 = tpu.iota {dimensions = array<i32: 0>} : vector<16xi32>
      %parallel_loop3A_37 = arith.subi %parallel_loop3A_35, %parallel_loop3A_36 : vector<16xi32>
      %parallel_loop3A_38 = tpu.dynamic_gather %parallel_loop3A_24[%parallel_loop3A_37] in [0] : vector<16xf32>, vector<16xi32> -> vector<16xf32>
      %parallel_loop3A_39 = arith.maximumf %parallel_loop3A_20, %parallel_loop3A_38 : vector<16xf32>
      %parallel_loop3A_40 = arith.constant 15 : i32
      %parallel_loop3A_41 = vector.broadcast %parallel_loop3A_40 : i32 to vector<16xi32>
      %parallel_loop3A_42 = tpu.iota {dimensions = array<i32: 0>} : vector<16xi32>
      %parallel_loop3A_43 = arith.subi %parallel_loop3A_41, %parallel_loop3A_42 : vector<16xi32>
      %parallel_loop3A_44 = tpu.dynamic_gather %parallel_loop3A_32[%parallel_loop3A_43] in [0] : vector<16xf32>, vector<16xi32> -> vector<16xf32>
      %parallel_loop3A_45 = arith.maximumf %parallel_loop3A_28, %parallel_loop3A_44 : vector<16xf32>
      %parallel_loop3A_46 = arith.constant dense<true> : vector<16xi1>
      %parallel_loop3A_47, %parallel_loop3A_48, %parallel_loop3A_49 = tpu.sort %parallel_loop3A_39, %parallel_loop3A_39 masked %parallel_loop3A_46 : (vector<16xf32>, vector<16xf32>, vector<16xi1>) -> (vector<16xi1>, vector<16xf32>, vector<16xf32>)
      %parallel_loop3A_50 = arith.constant dense<true> : vector<16xi1>
      %parallel_loop3A_51, %parallel_loop3A_52, %parallel_loop3A_53 = tpu.sort %parallel_loop3A_45, %parallel_loop3A_45 masked %parallel_loop3A_50 : (vector<16xf32>, vector<16xf32>, vector<16xi1>) -> (vector<16xi1>, vector<16xf32>, vector<16xf32>)
      %parallel_loop3A_54 = arith.constant 15 : i32
      %parallel_loop3A_55 = vector.broadcast %parallel_loop3A_54 : i32 to vector<16xi32>
      %parallel_loop3A_56 = tpu.iota {dimensions = array<i32: 0>} : vector<16xi32>
      %parallel_loop3A_57 = arith.subi %parallel_loop3A_55, %parallel_loop3A_56 : vector<16xi32>
      %parallel_loop3A_58 = tpu.dynamic_gather %parallel_loop3A_52[%parallel_loop3A_57] in [0] : vector<16xf32>, vector<16xi32> -> vector<16xf32>
      %parallel_loop3A_59 = arith.maximumf %parallel_loop3A_48, %parallel_loop3A_58 : vector<16xf32>
      %parallel_loop3A_60 = arith.constant dense<true> : vector<16xi1>
      %parallel_loop3A_61, %parallel_loop3A_62, %parallel_loop3A_63 = tpu.sort %parallel_loop3A_59, %parallel_loop3A_59 masked %parallel_loop3A_60 : (vector<16xf32>, vector<16xf32>, vector<16xi1>) -> (vector<16xi1>, vector<16xf32>, vector<16xf32>)
      %parallel_loop3A_64 = arith.constant 15 : i32
      %parallel_loop3A_65 = vector.broadcast %parallel_loop3A_64 : i32 to vector<16xi32>
      %parallel_loop3A_66 = arith.constant 0 : i32
      %parallel_loop3A_67 = vector.broadcast %parallel_loop3A_66 : i32 to vector<16xi32>
      %parallel_loop3A_68 = arith.cmpi slt, %parallel_loop3A_65, %parallel_loop3A_67 : vector<16xi32>
      %parallel_loop3A_69 = arith.constant 16 : i32
      %parallel_loop3A_70 = vector.broadcast %parallel_loop3A_69 : i32 to vector<16xi32>
      %parallel_loop3A_71 = arith.addi %parallel_loop3A_65, %parallel_loop3A_70 : vector<16xi32>
      %parallel_loop3A_72 = arith.select %parallel_loop3A_68, %parallel_loop3A_71, %parallel_loop3A_65 : vector<16xi1>, vector<16xi32>
      %parallel_loop3A_73 = vector.shape_cast %parallel_loop3A_72 : vector<16xi32> to vector<16x1xi32>
      %parallel_loop3A_74 = vector.shape_cast %parallel_loop3A_73 : vector<16x1xi32> to vector<16xi32>
      %parallel_loop3A_75 = tpu.dynamic_gather %parallel_loop3A_62[%parallel_loop3A_74] in [0] : vector<16xf32>, vector<16xi32> -> vector<16xf32>
      %parallel_loop3A_76 = arith.constant 8 : i32
      %parallel_loop3A_77 = vector.broadcast %parallel_loop3A_76 : i32 to vector<16xi32>
      %parallel_loop3A_78 = arith.constant 0 : i32
      %parallel_loop3A_79 = vector.broadcast %parallel_loop3A_78 : i32 to vector<16xi32>
      %parallel_loop3A_80 = arith.cmpi slt, %parallel_loop3A_77, %parallel_loop3A_79 : vector<16xi32>
      %parallel_loop3A_81 = arith.constant 16 : i32
      %parallel_loop3A_82 = vector.broadcast %parallel_loop3A_81 : i32 to vector<16xi32>
      %parallel_loop3A_83 = arith.addi %parallel_loop3A_77, %parallel_loop3A_82 : vector<16xi32>
      %parallel_loop3A_84 = arith.select %parallel_loop3A_80, %parallel_loop3A_83, %parallel_loop3A_77 : vector<16xi1>, vector<16xi32>
      %parallel_loop3A_85 = vector.shape_cast %parallel_loop3A_84 : vector<16xi32> to vector<16x1xi32>
      %parallel_loop3A_86 = vector.shape_cast %parallel_loop3A_85 : vector<16x1xi32> to vector<16xi32>
      %parallel_loop3A_87 = tpu.dynamic_gather %parallel_loop3A_62[%parallel_loop3A_86] in [0] : vector<16xf32>, vector<16xi32> -> vector<16xf32>
      %parallel_loop3A_88 = arith.subf %parallel_loop3A_8, %parallel_loop3A_75 : vector<16xf32>
      %parallel_loop3A_89 = math.exp %parallel_loop3A_88 : vector<16xf32>
      %parallel_loop3A_90 = arith.subf %parallel_loop3A_11, %parallel_loop3A_75 : vector<16xf32>
      %parallel_loop3A_91 = math.exp %parallel_loop3A_90 : vector<16xf32>
      %parallel_loop3A_92 = arith.subf %parallel_loop3A_14, %parallel_loop3A_75 : vector<16xf32>
      %parallel_loop3A_93 = math.exp %parallel_loop3A_92 : vector<16xf32>
      %parallel_loop3A_94 = arith.subf %parallel_loop3A_17, %parallel_loop3A_75 : vector<16xf32>
      %parallel_loop3A_95 = math.exp %parallel_loop3A_94 : vector<16xf32>
      %parallel_loop3A_96 = arith.addf %parallel_loop3A_89, %parallel_loop3A_91 : vector<16xf32>
      %parallel_loop3A_97 = arith.addf %parallel_loop3A_93, %parallel_loop3A_95 : vector<16xf32>
      %parallel_loop3A_98 = arith.addf %parallel_loop3A_96, %parallel_loop3A_97 : vector<16xf32>
      %parallel_loop3A_99 = arith.constant true
      %parallel_loop3A_100 = vector.broadcast %parallel_loop3A_99 : i1 to vector<16xi1>
      %parallel_loop3A_101 = tpu.scan <sum>, %parallel_loop3A_98 masked %parallel_loop3A_100 : vector<16xf32>, vector<16xi1> -> vector<16xf32>
      %parallel_loop3A_102 = vector.extract %parallel_loop3A_101[15] : f32 from vector<16xf32>
      %parallel_loop3A_103 = arith.constant 1.000000e+00 : f32
      %parallel_loop3A_104 = vector.broadcast %parallel_loop3A_103 : f32 to vector<16xf32>
      %parallel_loop3A_105 = vector.broadcast %parallel_loop3A_102 : f32 to vector<16xf32>
      %parallel_loop3A_106 = arith.divf %parallel_loop3A_104, %parallel_loop3A_105 : vector<16xf32>
      %parallel_loop3A_107 = arith.mulf %parallel_loop3A_89, %parallel_loop3A_106 : vector<16xf32>
      %parallel_loop3A_108 = arith.mulf %parallel_loop3A_91, %parallel_loop3A_106 : vector<16xf32>
      %parallel_loop3A_109 = arith.mulf %parallel_loop3A_93, %parallel_loop3A_106 : vector<16xf32>
      %parallel_loop3A_110 = arith.mulf %parallel_loop3A_95, %parallel_loop3A_106 : vector<16xf32>
      %parallel_loop3A_111 = arith.cmpf oge, %parallel_loop3A_8, %parallel_loop3A_87 : vector<16xf32>
      %parallel_loop3A_112 = arith.constant 0.00999999977 : f32
      %parallel_loop3A_113 = vector.broadcast %parallel_loop3A_112 : f32 to vector<16xf32>
      %parallel_loop3A_114 = arith.cmpf oge, %parallel_loop3A_107, %parallel_loop3A_113 : vector<16xf32>
      %parallel_loop3A_115 = arith.andi %parallel_loop3A_111, %parallel_loop3A_114 : vector<16xi1>
      %parallel_loop3A_116 = arith.constant 0.000000e+00 : f32
      %parallel_loop3A_117 = vector.broadcast %parallel_loop3A_116 : f32 to vector<16xf32>
      %parallel_loop3A_118 = arith.select %parallel_loop3A_115, %parallel_loop3A_107, %parallel_loop3A_117 : vector<16xi1>, vector<16xf32>
      %parallel_loop3A_119 = arith.cmpf oge, %parallel_loop3A_11, %parallel_loop3A_87 : vector<16xf32>
      %parallel_loop3A_120 = arith.constant 0.00999999977 : f32
      %parallel_loop3A_121 = vector.broadcast %parallel_loop3A_120 : f32 to vector<16xf32>
      %parallel_loop3A_122 = arith.cmpf oge, %parallel_loop3A_108, %parallel_loop3A_121 : vector<16xf32>
      %parallel_loop3A_123 = arith.andi %parallel_loop3A_119, %parallel_loop3A_122 : vector<16xi1>
      %parallel_loop3A_124 = arith.constant 0.000000e+00 : f32
      %parallel_loop3A_125 = vector.broadcast %parallel_loop3A_124 : f32 to vector<16xf32>
      %parallel_loop3A_126 = arith.select %parallel_loop3A_123, %parallel_loop3A_108, %parallel_loop3A_125 : vector<16xi1>, vector<16xf32>
      %parallel_loop3A_127 = arith.cmpf oge, %parallel_loop3A_14, %parallel_loop3A_87 : vector<16xf32>
      %parallel_loop3A_128 = arith.constant 0.00999999977 : f32
      %parallel_loop3A_129 = vector.broadcast %parallel_loop3A_128 : f32 to vector<16xf32>
      %parallel_loop3A_130 = arith.cmpf oge, %parallel_loop3A_109, %parallel_loop3A_129 : vector<16xf32>
      %parallel_loop3A_131 = arith.andi %parallel_loop3A_127, %parallel_loop3A_130 : vector<16xi1>
      %parallel_loop3A_132 = arith.constant 0.000000e+00 : f32
      %parallel_loop3A_133 = vector.broadcast %parallel_loop3A_132 : f32 to vector<16xf32>
      %parallel_loop3A_134 = arith.select %parallel_loop3A_131, %parallel_loop3A_109, %parallel_loop3A_133 : vector<16xi1>, vector<16xf32>
      %parallel_loop3A_135 = arith.cmpf oge, %parallel_loop3A_17, %parallel_loop3A_87 : vector<16xf32>
      %parallel_loop3A_136 = arith.constant 0.00999999977 : f32
      %parallel_loop3A_137 = vector.broadcast %parallel_loop3A_136 : f32 to vector<16xf32>
      %parallel_loop3A_138 = arith.cmpf oge, %parallel_loop3A_110, %parallel_loop3A_137 : vector<16xf32>
      %parallel_loop3A_139 = arith.andi %parallel_loop3A_135, %parallel_loop3A_138 : vector<16xi1>
      %parallel_loop3A_140 = arith.constant 0.000000e+00 : f32
      %parallel_loop3A_141 = vector.broadcast %parallel_loop3A_140 : f32 to vector<16xf32>
      %parallel_loop3A_142 = arith.select %parallel_loop3A_139, %parallel_loop3A_110, %parallel_loop3A_141 : vector<16xi1>, vector<16xf32>
      %parallel_loop3A_143 = arith.index_cast %parallel_loop3A_5 : i32 to index
      %parallel_loop3A_144 = arith.constant 0 : index
      %parallel_loop3A_145 = tpu.vector_load %arg5[%parallel_loop3A_143, %parallel_loop3A_144] {strides = array<i32>} : memref<512x64xf32, #tpu.memory_space<vmem>>, vector<16xf32>,
      tpu.vector_store %arg5[%parallel_loop3A_143, %parallel_loop3A_144], %parallel_loop3A_118 {strides = array<i32>} : memref<512x64xf32, #tpu.memory_space<vmem>>, vector<16xf32>,
      %parallel_loop3A_146 = arith.index_cast %parallel_loop3A_5 : i32 to index
      %parallel_loop3A_147 = arith.constant 16 : index
      %parallel_loop3A_148 = tpu.vector_load %arg5[%parallel_loop3A_146, %parallel_loop3A_147] {strides = array<i32>} : memref<512x64xf32, #tpu.memory_space<vmem>>, vector<16xf32>,
      tpu.vector_store %arg5[%parallel_loop3A_146, %parallel_loop3A_147], %parallel_loop3A_126 {strides = array<i32>} : memref<512x64xf32, #tpu.memory_space<vmem>>, vector<16xf32>,
      %parallel_loop3A_149 = arith.index_cast %parallel_loop3A_5 : i32 to index
      %parallel_loop3A_150 = arith.constant 32 : index
      %parallel_loop3A_151 = tpu.vector_load %arg5[%parallel_loop3A_149, %parallel_loop3A_150] {strides = array<i32>} : memref<512x64xf32, #tpu.memory_space<vmem>>, vector<16xf32>,
      tpu.vector_store %arg5[%parallel_loop3A_149, %parallel_loop3A_150], %parallel_loop3A_134 {strides = array<i32>} : memref<512x64xf32, #tpu.memory_space<vmem>>, vector<16xf32>,
      %parallel_loop3A_152 = arith.index_cast %parallel_loop3A_5 : i32 to index
      %parallel_loop3A_153 = arith.constant 48 : index
      %parallel_loop3A_154 = tpu.vector_load %arg5[%parallel_loop3A_152, %parallel_loop3A_153] {strides = array<i32>} : memref<512x64xf32, #tpu.memory_space<vmem>>, vector<16xf32>,
      tpu.vector_store %arg5[%parallel_loop3A_152, %parallel_loop3A_153], %parallel_loop3A_142 {strides = array<i32>} : memref<512x64xf32, #tpu.memory_space<vmem>>, vector<16xf32>,
    } {sc.loop_unroll_factor = 2 : i64, sc.parallel_access}
    "tpu.region"() ({
      %run_scoped3A = tpu.sem_alloc : memref<!tpu.dma_semaphore, #tpu.memory_space<semaphore_mem>>
      %dma_start3A = arith.constant 0 : i32
      %dma_start3A_5 = tpu.memref_slice %arg3[%mul3A_2, %dma_start3A] : memref<16384x64xf32, #tpu.memory_space<hbm>> -> memref<512x64xf32, #tpu.memory_space<hbm>>
      %dma_start3A_6 = arith.constant 0 : i32
      %dma_start3A_7 = tpu.memref_slice %arg3[%mul3A_2, %dma_start3A_6] : memref<16384x64xf32, #tpu.memory_space<hbm>> -> memref<512x64xf32, #tpu.memory_space<hbm>>
      tpu.enqueue_dma source(%arg5 : memref<512x64xf32, #tpu.memory_space<vmem>>) target(%dma_start3A_7 : memref<512x64xf32, #tpu.memory_space<hbm>>) target_semaphore(%run_scoped3A : memref<!tpu.dma_semaphore, #tpu.memory_space<semaphore_mem>>)
      %dma_wait3A = arith.constant 0 : i32
      %dma_wait3A_8 = tpu.memref_slice %arg3[%mul3A_2, %dma_wait3A] : memref<16384x64xf32, #tpu.memory_space<hbm>> -> memref<512x64xf32, #tpu.memory_space<hbm>>
      %dma_wait3A_9 = arith.constant 0 : i32
      %dma_wait3A_10 = tpu.memref_slice %arg3[%mul3A_2, %dma_wait3A_9] : memref<16384x64xf32, #tpu.memory_space<hbm>> -> memref<512x64xf32, #tpu.memory_space<hbm>>
      tpu.wait_dma2 semaphore(%run_scoped3A : memref<!tpu.dma_semaphore, #tpu.memory_space<semaphore_mem>>) src(%arg5 : memref<512x64xf32, #tpu.memory_space<vmem>>) dst(%dma_wait3A_10 : memref<512x64xf32, #tpu.memory_space<hbm>>)
      tpu.yield
    }) : () -> ()
    return
  }
}

</mosaic_0001>

<sc_bundles>
// kernel: kernel.3.cloned.1.call-start
scs
__scs_entry_jumppad:
0x0: {  	(pc) =	sbr.rel $0x88, $3  }
0x1: {  	(tag) =	ssettag $0x0;
	lr =	simm.s32 $0x1  }
0x2: {  	[smem:$0x3FA0] =	sst lr;
	_ =	strace $0xD0000000  }
0x3: {  	_ = 	snop  }
0x4: {  	_ = 	snop  }
0x5: {  	_ = 	snop  }
0x6: {  	_ = 	snop  }
0x7: {  	_ = 	snop  }
__scs_overlays_trampoline_lowered:
0x8: {  	[smem:$0x3FAF] =	sst s0  }
0x9: {  	[smem:$0x3FB0] =	sst s1  }
0xa: {  	[smem:$0x3FB1] =	sst s2  }
0xb: {  	[smem:$0x3FB2] =	sst s3  }
0xc: {  	[smem:$0x3FB3] =	sst s4  }
0xd: {  	[smem:$0x3FB4] =	sst s5  }
0xe: {  	[smem:$0x3FB5] =	sst s6  }
0xf: {  	[smem:$0x3FB6] =	sst s7  }
0x10: {  	[smem:$0x3FB7] =	sst s8  }
0x11: {  	[smem:$0x3FB8] =	sst s9;
	s0 =	simm.s32 @!p0 $0x0  }
0x12: {  	s1 =	sld [smem:$0x3F9E];
	s0 =	simm.s32 @p0 $0x1  }
0x13: {  	[smem:$0x3FB9] =	sst s0;
	s0 =	simm.s32 @!p1 $0x0  }
0x14: {  	s2 =	sld [smem:$0x3F9D];
	s0 =	simm.s32 @p1 $0x1  }
0x15: {  	[smem:$0x3FBA] =	sst s0;
	s0 =	simm.s32 @!p2 $0x0  }
0x16: {  	s3 =	sld [smem:$0x3FDB];
	s0 =	simm.s32 @p2 $0x1  }
0x17: {  	s4 =	simm.s32 $0x1BF5;
	[smem:$0x3FBC] =	sst s0  }
0x18: {  	s0 =	sld [smem:$0x3F9F];
	_ =	swait.ge [sflag:s4], $0x0  }
0x19: {  	s7 =	sld [smem:$0x3FA0]  }
0x1a: {  	s8 =	sadd.s32 $0xFFFFE003, lr  }
0x1b: {  	s9 =	sadd.s32 $0xFFFFFEF7, lr;
	s5 =	simm.s32 $0xFFFFFFFF;
	p2 =	slt.u32 s8, $0xFFFFF086  }
0x1c: {  	p1 =	slt.u32 s9, $0xF7A;
	s5 =	simm.s32 @!p2 $0x0  }
0x1d: {  	s5 =	simm.s32 @p1 $0x1;
	p0 =	seq.s32 s7, s2  }
0x1e: {  	s7 =	smul.u32 @!p0 $0xF7A, s2;
	p2 =	seq.s32 @!p0 s5, $0x0  }
0x1f: {  	s9 =	smul.u32 $0xF7A, s1;
	s8 =	simm.s32 @!p0 $0x1BF5;
	p2 =	por !p2, p0  }
0x20: {  	[sflag:s8] =	ssyncset.s32 @!p0 $0xFFFFF086;
	s6 =	sadd.s32 @!p0 s3, s7;
	s7 =	simm.s32 @!p0 $0x108  }
0x21: {  	s3 =	sadd.s32 s3, s9;
	s6 =	sadd.s32 @!p0 $0x88, s6;
	s7 =	simm.s32 @p2 $0x1082  }
0x22: {  	[simem:s7], [sflag:s8] =	dma.local @!p0 [hbm:s6], $0xF7A  }
0x23: {  	s9 =	sor.u32 $0xD0000000, s2;
	s6 =	simm.s32 $0x108;
	_ =	swait.ge @!p0 [sflag:s8], $0x0  }
0x24: {  	s3 =	sadd.s32 $0x88, s3;
	s6 =	simm.s32 @!p1 $0x1082;
	[sflag:s4] =	ssyncset.s32 $0xFFFFF086  }
0x25: {  	[simem:s6], [sflag:s4] =	dma.local [hbm:s3], $0xF7A  }
0x26: {  	[smem:$0x3FA0] =	sst s1;
	(tag) =	ssettag s2;
	_ =	strace s9  }
0x27: {  	s1 =	sld [smem:$0x3FB0]  }
0x28: {  	s2 =	sld [smem:$0x3FB1]  }
0x29: {  	s4 =	sld [smem:$0x3FB3]  }
0x2a: {  	p0 =	seq.s32 s5, $0x0;
	s5 =	sld [smem:$0x3FB4]  }
0x2b: {  	s6 =	sld [smem:$0x3FB5]  }
0x2c: {  	s7 =	sld [smem:$0x3FB6]  }
0x2d: {  	s3 =	simm.s32 $0x108;
	s8 =	sld [smem:$0x3FB7]  }
0x2e: {  	s3 =	simm.s32 @!p0 $0x1082;
	s9 =	sld [smem:$0x3FB8]  }
0x2f: {  	lr =	sadd.s32 s0, s3;
	s0 =	sld [smem:$0x3FAF]  }
0x30: {  	s3 =	sld [smem:$0x3FB2]  }
0x31: {  	[smem:$0x3FBB] =	sst s10  }
0x32: {  	s10 =	sld [smem:$0x3FB9];
	_ =	sdelay $0x3  }
0x33: {  	p0 =	seq.s32 s10, $0x1;
	s10 =	sld [smem:$0x3FBB];
	_ =	sdelay $0x3  }
0x34: {  	[smem:$0x3FBB] =	sst s10  }
0x35: {  	s10 =	sld [smem:$0x3FBA];
	_ =	sdelay $0x3  }
0x36: {  	p1 =	seq.s32 s10, $0x1;
	s10 =	sld [smem:$0x3FBB];
	_ =	sdelay $0x3  }
0x37: {  	[smem:$0x3FBB] =	sst s10  }
0x38: {  	s10 =	sld [smem:$0x3FBC]  }
0x39: {  	_ = 	snop;
	(pc) =	sbr.ind lr, $3  }
0x3a: {  	_ = 	snop  }
0x3b: {  	_ = 	snop  }
0x3c: {  	p2 =	seq.s32 s10, $0x1;
	s10 =	sld [smem:$0x3FBB]  }
0x3d: {  	_ =	shalt  }
0x3e: {  	_ =	shalt  }
0x3f: {  	_ =	shalt  }
0x40: {  	_ =	shalt  }
0x41: {  	_ =	shalt  }
0x42: {  	_ =	shalt  }
0x43: {  	_ =	shalt  }
0x44: {  	_ =	shalt  }
0x45: {  	_ =	shalt  }
0x46: {  	_ =	shalt  }
0x47: {  	_ =	shalt  }
0x48: {  	_ =	shalt  }
0x49: {  	_ =	shalt  }
0x4a: {  	_ =	shalt  }
0x4b: {  	_ =	shalt  }
0x4c: {  	_ =	shalt  }
0x4d: {  	_ =	shalt  }
0x4e: {  	_ =	shalt  }
0x4f: {  	_ =	shalt  }
0x50: {  	_ =	shalt  }
0x51: {  	_ =	shalt  }
0x52: {  	_ =	shalt  }
0x53: {  	_ =	shalt  }
0x54: {  	_ =	shalt  }
0x55: {  	_ =	shalt  }
0x56: {  	_ =	shalt  }
0x57: {  	_ =	shalt  }
0x58: {  	_ =	shalt  }
0x59: {  	_ =	shalt  }
0x5a: {  	_ =	shalt  }
0x5b: {  	_ =	shalt  }
0x5c: {  	_ =	shalt  }
0x5d: {  	_ =	shalt  }
0x5e: {  	_ =	shalt  }
0x5f: {  	_ =	shalt  }
0x60: {  	_ =	shalt  }
0x61: {  	_ =	shalt  }
0x62: {  	_ =	shalt  }
0x63: {  	_ =	shalt  }
0x64: {  	_ =	shalt  }
0x65: {  	_ =	shalt  }
0x66: {  	_ =	shalt  }
0x67: {  	_ =	shalt  }
0x68: {  	_ =	shalt  }
0x69: {  	_ =	shalt  }
0x6a: {  	_ =	shalt  }
0x6b: {  	_ =	shalt  }
0x6c: {  	_ =	shalt  }
0x6d: {  	_ =	shalt  }
0x6e: {  	_ =	shalt  }
0x6f: {  	_ =	shalt  }
0x70: {  	_ =	shalt  }
0x71: {  	_ =	shalt  }
0x72: {  	_ =	shalt  }
0x73: {  	_ =	shalt  }
0x74: {  	_ =	shalt  }
0x75: {  	_ =	shalt  }
0x76: {  	_ =	shalt  }
0x77: {  	_ =	shalt  }
0x78: {  	_ =	shalt  }
0x79: {  	_ =	shalt  }
0x7a: {  	_ =	shalt  }
0x7b: {  	_ =	shalt  }
0x7c: {  	_ =	shalt  }
0x7d: {  	_ =	shalt  }
0x7e: {  	_ =	shalt  }
0x7f: {  	_ =	shalt  }
0x80: {  	_ =	shalt  }
0x81: {  	_ =	shalt  }
0x82: {  	_ =	shalt  }
0x83: {  	_ =	shalt  }
0x84: {  	_ =	shalt  }
0x85: {  	_ =	shalt  }
0x86: {  	_ =	shalt  }
0x87: {  	_ =	shalt  }
.Lfunc_end0:
.L_simem_size_0:
called_computation_lowered:
.L_overlay_start_0:
0x88: {  	s2 =	sld [smem:$0x3FD9]  }
0x89: {  	s3 =	sld [smem:$0x3FFE];
	_ =	sdelay $0x1  }
0x8a: {  	s1 =	srdreg.scid  }
0x8b: {  	s0 =	sand.u32 $0x1, s1  }
0x8c: {  	s16 =	sshll.u32 s0, $0xA;
	s2 =	sadd.s32 s3, s2  }
0x8d: {  	s2 =	sadd.s32 s2, s16  }
0x8e: {  	[smem:$0x3FC7] =	sst s2  }
0x8f: {  	_ = 	snop  }
0x90: {  	(tm) =	ssettm $0x1  }
0x91: {  	s17 =	sld [smem:$0x3FFB];
	_ =	sdelay $0x3  }
0x92: {  	_ =	strace s17  }
0x93: {  	s2 =	sld [smem:$0x3FFC];
	_ =	sdelay $0x3  }
0x94: {  	_ =	strace s2  }
0x95: {  	s2 =	sld [smem:$0x3FFD];
	_ =	sdelay $0x3  }
0x96: {  	_ =	strace s2  }
0x97: {  	_ =	strace $0x8FFFFFFF  }
0x98: {  	s18 =	sld [smem:$0x3FDB];
	_ =	sdelay $0x1  }
0x99: {  	s19 =	simm.s32 $_scs_section_size  }
0x9a: {  	s4 =	simm.s32 $_size__tile_overlayer_lowered;
	s5 =	simm.s32 $_tile_overlayer_lowered  }
0x9b: {  	s22 =	simm.s32 $0x1BFF;
	s21 =	sshll.u32 s5, $0x1;
	s2 =	sadd.s32 s19, s18  }
0x9c: {  	s6 =	simm.s32 $0x0;
	s20 =	sshll.u32 s4, $0x1;
	s4 =	sadd.s32 s21, s2  }
0x9d: {  	[timem:s6], [sflag:s22] =	dma.local [hbm:s4], s20  }
0x9e: {  	_ =	swait.ge [sflag:s22], s20  }
0x9f: {  	s3 =	ssub.s32 $0x0, s20;
	[sflag:s22] =	ssyncset.done $0x0  }
0xa0: {  	[sflag:s22] =	ssyncadd.s32 s3;
	_ =	sdelay $0x1  }
0xa1: {  	s23 =	simm.s32 $0x1B8B  }
0xa2: {  	_ =	swait.ge [sflag:s23], $0x1  }
0xa3: {  	[sflag:s23] =	ssyncset.done $0x0  }
0xa4: {  	s25 =	simm.s32 $0x1B8E;
	s24 =	sld [smem:$0x3FFE];
	[sflag:s23] =	ssyncadd.s32 $0xFFFFFFFF  }
0xa5: {  	s26 =	simm.s32 $execute0_lowered;
	[smem:$0x3FD2] =	sst s25  }
0xa6: {  	s4 =	sshll.u32 s26, $0x1;
	_ =	strace $0x80000046;
	[dreg:$0x1] =	wrdreg $0xFFFFFFFF  }
0xa7: {  	s28 =	simm.s32 $_size_execute0_lowered;
	s2 =	sadd.s32 s2, s4;
	[dreg:$0x0] =	wrdreg $0x0  }
0xa8: {  	s4 =	sshll.u32 s28, $0x1;
	[dreg:$0x2] =	wrdreg s2  }
0xa9: {  	[dreg:$0x3] =	wrdreg s4  }
0xaa: {  	[dreg:$0x4] =	wrdreg $0xC0  }
0xab: {  	_ =	task [dreg:s6], $0x5FFFF  }
0xac: {  	[dreg:$0x1] =	wrdreg $0xFFFFFFFF  }
0xad: {  	[dreg:$0x0] =	wrdreg $0x60  }
0xae: {  	[dreg:$0x2] =	wrdreg s24  }
0xaf: {  	[dreg:$0x3] =	wrdreg $0x9  }
0xb0: {  	_ =	task.clear_ibuf [dreg:s6], $0x4FFFF;
	_ =	strace $0x90000046  }
0xb1: {  	s29 =	simm.s32 $0x9;
	_ =	strace $0x80000048  }
0xb2: {  	_ =	swait.ge [sflag:s29], $0x1  }
0xb3: {  	[sflag:s29] =	ssyncadd.s32 $0xFFFFFFFF  }
0xb4: {  	_ =	strace $0x90000048  }
0xb5: {  	_ =	sfence  }
0xb6: {  	s30 =	sld [smem:$0x0];
	_ =	sdelay $0x2  }
0xb7: {  	s31 =	sshll.u32 s1, $0xD;
	s1 =	sshrl.u32 s1, $0x2  }
0xb8: {  	s3 =	sand.u32 $0x4000, s31;
	s1 =	sadd.s32 s1, s30  }
0xb9: {  	s0 =	sor.u32 s3, s0;
	s1 =	sshll.u32 s1, $0x11  }
0xba: {  	s0 =	sor.u32 s1, s0  }
0xbb: {  	s0 =	sadd.s32 $0x8F2B, s0  }
0xbc: {  	[sflag:s0] =	ssyncadd.remote.s32 $0x1  }
0xbd: {  	_ =	sfence.sel $0xFFFF  }
0xbe: {  	[dreg:$0x0] =	wrdreg $0xFFFFFFFF;
	(pc) =	sbr.abs _section_cstart, $3  }
0xbf: {  	[dreg:$0x1] =	wrdreg $0xFFFFFFFF  }
0xc0: {  	_ =	task.clear_ibuf [dreg:s6], $0x2FFFF;
	_ =	strace $0x9FFFFFFF  }
0xc1: {  	(tm) =	ssettm $0x7FFFFFFF  }
tec
execute0_lowered:
.L_overlay_start_1:
0x0: {  	(tag) =	ssettag $0x1  }
0x1: {  	s3 =	rddreg [dreg:$0x0]  }
0x2: {  	s0 =	rddreg [dreg:$0x1];
	s4 =	srdreg.scid  }
0x3: {  	s2 =	simm.s32 $0x0;
	s1 =	stileid.u32;
	s4 =	sand.u32 $0x1, s4  }
0x4: {  	s7 =	simm.s32 $0x10000;
	s5 =	sshll.u32 s1, $0xE;
	s6 =	sshll.u32 s4, $0xD  }
0x5: {  	v0 =	vlaneseq.u32;
	s8 =	simm.s32 $0x0;
	s4 =	ssub.s32 $0x2, s4;
	s5 =	sor.u32 s6, s5  }
0x6: {  	[smem:$0x7FF] =	sst s2;
	v0 =	vmul.u32 $0xFFFFFFFF, v0;
	s31 =	sshrl.u32 s4, $0x1;
	s5 =	sadd.s32 s5, s3  }
0x7: {  	_ =	strace $0x80000047;
	s6 =	ssub.s32 s4, s31;
	s3 =	sadd.s32 $0x400, s5  }
0x8: {  	v1 =	vimm.s32 $0xF;
	v2 =	vimm.s32 $0x8;
	v0 =	vadd.s32 $0xF, v0;
	s4 =	sadd.s32 $0x40400, s5;
	s5 =	smax.u32 s6, $0x1;
	s6 =	simm.s32 $0x1  }
.LBB2_1:
0x9: {  	[tilespmem:s2], [sflag:$0x1] =	stream.linear.gather [hbm4b:s3+s2], $0x10000, $0x38;
	v63 =	vld [tilespmem:$0x0]  }
0xa: {  	_ =	swait.ge [sflag:s6], $0x10000  }
0xb: {  	[sflag:s6] =	ssyncset.done $0x0  }
0xc: {  	s9 =	simm.s32 $0x80;
	[sflag:s6] =	ssyncadd.s32 $0xFFFF0000  }
0xd: {  	v12 =	vld [tilespmem:s9+$0x30]  }
0xe: {  	v25 =	vld [tilespmem:s9+$0x20];
	_ =	sdelay $0x2  }
0xf: {  	v26 =	vld [tilespmem:s9+$0x10]  }
0x10: {  	v8 =	vld [tilespmem:s9+$0xFFFFFFB0];
	(xrf1) =	vsort.ascd.msk.f32 $0xffff, v12, v12  }
0x11: {  	v20 =	vld [tilespmem:s9+$0x0];
	(xrf1) =	vsort.ascd.msk.f32 $0xffff, v25, v25;
	_ =	sdelay $0x2  }
0x12: {  	(xrf1) =	vsort.ascd.msk.f32 $0xffff, v26, v26  }
0x13: {  	(xrf1) =	vsort.ascd.msk.f32 $0xffff, v8, v8  }
0x14: {  	(xrf1) =	vsort.ascd.msk.f32 $0xffff, v20, v20  }
0x15: {  	v7 =	vld [tilespmem:s9+$0xFFFFFF90]  }
0x16: {  	v4 =	vld [tilespmem:s9+$0xFFFFFFA0];
	_ =	sdelay $0x1  }
0x17: {  	v14 =	vld [tilespmem:s9+$0xFFFFFF80];
	_ =	sdelay $0x1  }
0x18: {  	(xrf1) =	vsort.ascd.msk.f32 $0xffff, v7, v7  }
0x19: {  	(xrf1) =	vsort.ascd.msk.f32 $0xffff, v4, v4  }
0x1a: {  	v3, _, _ =	vpop (xrf1)  }
0x1b: {  	v3 =	vperm.xlane v3, v0;
	v5, _, _ =	vpop (xrf1);
	(xrf1) =	vsort.ascd.msk.f32 $0xffff, v14, v14;
	_ =	sdelay $0x1  }
0x1c: {  	v3 =	vmax.f32 v5, v3  }
0x1d: {  	v6, _, _ =	vpop (xrf1)  }
0x1e: {  	v5 =	vperm.xlane v6, v0;
	v6, _, _ =	vpop (xrf1)  }
0x1f: {  	(xrf1) =	vsort.ascd.msk.f32 $0xffff, v3, v3;
	v3, _, _ =	vpop (xrf1)  }
0x20: {  	v3 =	vmax.f32 v3, v5  }
0x21: {  	(xrf1) =	vsort.ascd.msk.f32 $0xffff, v3, v3;
	_ =	sdelay $0x3  }
0x22: {  	v5, _, _ =	vpop (xrf1);
	v3 =	vperm.xlane v6, v0  }
0x23: {  	v6, _, _ =	vpop (xrf1)  }
0x24: {  	v5 =	vperm.xlane v5, v0;
	v3 =	vmax.f32 v6, v3  }
0x25: {  	s29 =	simm.s32 $0x180;
	(xrf1) =	vsort.ascd.msk.f32 $0xffff, v3, v3;
	v6, _, _ =	vpop (xrf1)  }
0x26: {  	v30 =	vld [tilespmem:s29+$0x30];
	v5 =	vmax.f32 v6, v5  }
0x27: {  	(xrf1) =	vsort.ascd.msk.f32 $0xffff, v5, v5  }
0x28: {  	v3 =	vld [tilespmem:s29+$0x20];
	_ =	sdelay $0x1  }
0x29: {  	v13 =	vld [tilespmem:s29+$0x10];
	v5, _, _ =	vpop (xrf1)  }
0x2a: {  	v28 =	vld [tilespmem:s29+$0xFFFFFFB0];
	(xrf1) =	vsort.ascd.msk.f32 $0xffff, v30, v30;
	v5 =	vperm.xlane v5, v0  }
0x2b: {  	v19 =	vld [tilespmem:s29+$0x0];
	v6, _, _ =	vpop (xrf1)  }
0x2c: {  	(xrf1) =	vsort.ascd.msk.f32 $0xffff, v3, v3;
	v5 =	vmax.f32 v6, v5  }
0x2d: {  	(xrf1) =	vsort.ascd.msk.f32 $0xffff, v5, v5  }
0x2e: {  	(xrf1) =	vsort.ascd.msk.f32 $0xffff, v13, v13  }
0x2f: {  	(xrf1) =	vsort.ascd.msk.f32 $0xffff, v28, v28  }
0x30: {  	v29 =	vld [tilespmem:s29+$0xFFFFFF90];
	(xrf1) =	vsort.ascd.msk.f32 $0xffff, v19, v19  }
0x31: {  	v31 =	vld [tilespmem:s29+$0xFFFFFFA0]  }
0x32: {  	v32 =	vld [tilespmem:s29+$0xFFFFFF80];
	v5, _, _ =	vpop (xrf1)  }
0x33: {  	v5 =	vperm.xlane v5, v0  }
0x34: {  	v6, _, _ =	vpop (xrf1)  }
0x35: {  	(xrf1) =	vsort.ascd.msk.f32 $0xffff, v29, v29;
	v5 =	vmax.f32 v6, v5  }
0x36: {  	(xrf1) =	vsort.ascd.msk.f32 $0xffff, v31, v31  }
0x37: {  	(xrf1) =	vsort.ascd.msk.f32 $0xffff, v32, v32  }
0x38: {  	(xrf1) =	vsort.ascd.msk.f32 $0xffff, v5, v5;
	v5, _, _ =	vpop (xrf1)  }
0x39: {  	v5 =	vperm.xlane v5, v0  }
0x3a: {  	v6, _, _ =	vpop (xrf1)  }
0x3b: {  	v17, _, _ =	vpop (xrf1);
	v5 =	vmax.f32 v6, v5  }
0x3c: {  	v6, _, _ =	vpop (xrf1);
	(xrf1) =	vsort.ascd.msk.f32 $0xffff, v5, v5;
	v5 =	vperm.xlane v17, v1  }
0x3d: {  	v6 =	vperm.xlane v6, v0;
	v9, _, _ =	vpop (xrf1)  }
0x3e: {  	v10, _, _ =	vpop (xrf1);
	v11 =	vsub.f32 v20, v5  }
0x3f: {  	v6 =	vmax.f32 v10, v6;
	v10 =	vsub.f32 v26, v5  }
0x40: {  	(xrf1) =	vsort.ascd.msk.f32 $0xffff, v6, v6;
	v6 =	vmul.f32 $1.442695020e+00, v11  }
0x41: {  	v11 =	vsub.f32 v25, v5;
	v10 =	vmul.f32 $1.442695020e+00, v10;
	_ =	sdelay $0x1  }
0x42: {  	v5 =	vsub.f32 v12, v5;
	(erf) = vpow2.f32 v6;
	v11 =	vmul.f32 $1.442695020e+00, v11  }
0x43: {  	v9 =	vperm.xlane v9, v0;
	(erf) = vpow2.f32 v10;
	v6, _, _ =	vpop (xrf1)  }
0x44: {  	v5 =	vmul.f32 $1.442695020e+00, v5;
	(erf) = vpow2.f32 v11;
	v10, _, _ =	vpop (xrf1)  }
0x45: {  	v6 =	vperm.xlane v6, v0;
	v9 =	vmax.f32 v10, v9;
	v10, _, _ =	vpop (xrf1)  }
0x46: {  	(erf) = vpow2.f32 v5;
	v22, _, _ =	vpop (xrf1)  }
0x47: {  	s30 =	simm.s32 $0x280;
	v6 =	vmax.f32 v10, v6;
	(xrf1) =	vsort.ascd.msk.f32 $0xffff, v9, v9;
	v5 =	vperm.xlane v22, v1  }
0x48: {  	(xrf1) =	vsort.ascd.msk.f32 $0xffff, v6, v6;
	v6 =	vld [tilespmem:s30+$0x30]  }
0x49: {  	v9 =	vsub.f32 v14, v5;
	v11 =	vsub.f32 v7, v5  }
0x4a: {  	v10 =	vld [tilespmem:s30+$0x20];
	v15, _, _ =	vpop (xrf1)  }
0x4b: {  	v16 =	vsub.f32 v4, v5;
	v18 =	vpop (erf);
	v9 =	vmul.f32 $1.442695020e+00, v9;
	v23 =	vmul.f32 $1.442695020e+00, v11  }
0x4c: {  	v21 =	vsub.f32 v8, v5;
	v15 =	vperm.xlane v15, v0;
	v27 =	vpop (erf)  }
0x4d: {  	v16 =	vmul.f32 $1.442695020e+00, v16;
	(xrf1) =	vsort.ascd.msk.f32 $0xffff, v6, v6;
	v34 =	vpop (erf);
	(erf) = vpow2.f32 v9  }
0x4e: {  	v5 =	vld [tilespmem:s30+$0x10];
	v21 =	vmul.f32 $1.442695020e+00, v21;
	v24, _, _ =	vpop (xrf1);
	(erf) = vpow2.f32 v23  }
0x4f: {  	v11 =	vld [tilespmem:s30+$0xFFFFFFB0];
	(xrf1) =	vsort.ascd.msk.f32 $0xffff, v10, v10;
	v15 =	vmax.f32 v24, v15;
	(erf) = vpow2.f32 v16;
	v23 =	vpop (erf)  }
0x50: {  	v9 =	vld [tilespmem:s30+$0x0];
	(erf) = vpow2.f32 v21;
	v21 =	vadd.f32 v27, v18;
	v24 =	vadd.f32 v23, v34  }
0x51: {  	(xrf1) =	vsort.ascd.msk.f32 $0xffff, v15, v15  }
0x52: {  	v15 =	vld [tilespmem:s30+$0xFFFFFF90];
	v24 =	vadd.f32 v24, v21  }
0x53: {  	v16 =	vld [tilespmem:s30+$0xFFFFFFA0];
	(xrf1) =	vsort.ascd.msk.f32 $0xffff, v5, v5  }
0x54: {  	(xrf1) =	vsort.ascd.msk.f32 $0xffff, v11, v11;
	v21 =	vld [tilespmem:s30+$0xFFFFFF80]  }
0x55: {  	(xrf1) =	vsort.ascd.msk.f32 $0xffff, v9, v9;
	v33, _, _ =	vpop (xrf1)  }
0x56: {  	(xrf2) =	vadd.scan.msk.f32 $0xffff, v24;
	v33 =	vperm.xlane v33, v0;
	v24, _, _ =	vpop (xrf1)  }
0x57: {  	(xrf1) =	vsort.ascd.msk.f32 $0xffff, v15, v15;
	v36 =	vpop (erf)  }
0x58: {  	(xrf1) =	vsort.ascd.msk.f32 $0xffff, v16, v16;
	v37 =	vpop (erf);
	v24 =	vmax.f32 v24, v33  }
0x59: {  	(xrf1) =	vsort.ascd.msk.f32 $0xffff, v21, v21;
	v38 =	vpop (erf)  }
0x5a: {  	(xrf1) =	vsort.ascd.msk.f32 $0xffff, v24, v24;
	v39 =	vpop (erf)  }
0x5b: {  	v24, _, _ =	vpop (xrf1)  }
0x5c: {  	v49 =	vadd.f32 v37, v36;
	v35 =	vadd.f32 v39, v38;
	v24 =	vperm.xlane v24, v0  }
0x5d: {  	v40, _, _ =	vpop (xrf1)  }
0x5e: {  	v35 =	vadd.f32 v35, v49;
	v24 =	vmax.f32 v40, v24  }
0x5f: {  	v33, _, _ =	vpop (xrf1);
	(xrf1) =	vsort.ascd.msk.f32 $0xffff, v24, v24  }
0x60: {  	v50, _, _ =	vpop (xrf2);
	v24 =	vperm.xlane v33, v1;
	(xrf2) =	vadd.scan.msk.f32 $0xffff, v35  }
0x61: {  	v60 =	vperm.xlane v22, v2;
	v51, _, _ =	vpop (xrf1);
	v40 =	vbroadcast v50, $0xF  }
0x62: {  	v35 =	vperm.xlane v51, v0;
	v41, _, _ =	vpop (xrf1);
	v42 =	vsub.f32 v19, v24;
	v43 =	vsub.f32 v13, v24  }
0x63: {  	v52, _, _ =	vpop (xrf1);
	v54 =	vsub.f32 v3, v24;
	v41 =	vperm.xlane v41, v0;
	v24 =	vsub.f32 v30, v24  }
0x64: {  	(erf) = vrcp.f32 v40;
	v35 =	vmax.f32 v52, v35;
	v53 =	vmul.f32 $1.442695020e+00, v42  }
0x65: {  	(xrf1) =	vsort.ascd.msk.f32 $0xffff, v35, v35;
	v55 =	vmul.f32 $1.442695020e+00, v43;
	v56, _, _ =	vpop (xrf1);
	v42 =	vmul.f32 $1.442695020e+00, v54  }
0x66: {  	v24 =	vmul.f32 $1.442695020e+00, v24;
	v57, _, _ =	vpop (xrf1);
	(erf) = vpow2.f32 v53  }
0x67: {  	v58 =	vperm.xlane v56, v0;
	v22 =	vmax.f32 v57, v41;
	(erf) = vpow2.f32 v55;
	v59, _, _ =	vpop (xrf1)  }
0x68: {  	(xrf1) =	vsort.ascd.msk.f32 $0xffff, v22, v22;
	(erf) = vpow2.f32 v42;
	v61, _, _ =	vpop (xrf1)  }
0x69: {  	(erf) = vpow2.f32 v24;
	v24 =	vmax.f32 v59, v58;
	v22 =	vperm.xlane v61, v1  }
0x6a: {  	v48 =	vperm.xlane v17, v2;
	vm0 =	vge.f32 v14, v60;
	(xrf1) =	vsort.ascd.msk.f32 $0xffff, v24, v24;
	v14, _, _ =	vpop (xrf2)  }
0x6b: {  	s31 =	simm.s32 $0x380;
	vm1 =	vge.f32 v7, v60;
	v14 =	vbroadcast v14, $0xF;
	v24 =	vsub.f32 v32, v22  }
0x6c: {  	vm3 =	vge.f32 v4, v60;
	v7 =	vld [tilespmem:s31+$0x30];
	v4 =	vsub.f32 v29, v22;
	v17 =	vsub.f32 v31, v22  }
0x6d: {  	v62 =	vpop (erf);
	(erf) = vrcp.f32 v14;
	v14 =	vmul.f32 $1.442695020e+00, v24;
	v24 =	vsub.f32 v28, v22  }
0x6e: {  	v45 =	vmul.f32 $1.442695020e+00, v4;
	v4 =	vld [tilespmem:s31+$0x20];
	v49, _, _ =	vpop (xrf1)  }
0x6f: {  	v17 =	vmul.f32 $1.442695020e+00, v17;
	v22 =	vpop (erf)  }
0x70: {  	v44 =	vmul.f32 v62, v23;
	(erf) = vpow2.f32 v14;
	v23 =	vpop (erf)  }
0x71: {  	vm4 =	vge.f32 v8, v60;
	v8 =	vld [tilespmem:s31+$0x10];
	(xrf1) =	vsort.ascd.msk.f32 $0xffff, v7, v7;
	v50 =	vmul.f32 $1.442695020e+00, v24;
	(erf) = vpow2.f32 v45;
	v24 =	vpop (erf)  }
0x72: {  	vm5 =	vge.f32 v12, v48;
	v12 =	vperm.xlane v49, v0;
	v14 =	vld [tilespmem:s31+$0xFFFFFFB0];
	(erf) = vpow2.f32 v17;
	v35 =	vpop (erf)  }
0x73: {  	vm6 =	vge.f32 v26, v48;
	vm9 =	vge.f32 v25, v48;
	(erf) = vpow2.f32 v50;
	v17, _, _ =	vpop (xrf1);
	(xrf1) =	vsort.ascd.msk.f32 $0xffff, v4, v4  }
0x74: {  	v51 =	vadd.f32 v23, v22;
	v52 =	vadd.f32 v35, v24;
	v17 =	vmax.f32 v17, v12  }
0x75: {  	vm2 =	vmmov vm1;
	vm1 =	vmmov vm3;
	vm3 =	vmmov vm4;
	v12 =	vld [tilespmem:s31+$0x0];
	(xrf1) =	vsort.ascd.msk.f32 $0xffff, v17, v17  }
0x76: {  	v40 =	vperm.xlane v61, v2;
	vm4 =	vge.f32 v44, $9.999999770e-03;
	v17 =	vld [tilespmem:s31+$0xFFFFFF90];
	v42 =	vadd.f32 v52, v51;
	(xrf1) =	vsort.ascd.msk.f32 $0xffff, v8, v8;
	v26, _, _ =	vpop (xrf1)  }
0x77: {  	v53 =	vmul.f32 v62, v18;
	v46 =	vmul.f32 v62, v27;
	v18 =	vld [tilespmem:s31+$0xFFFFFFA0];
	vm4 =	vmand vm5, vm4;
	v27 =	vpop (erf);
	(xrf1) =	vsort.ascd.msk.f32 $0xffff, v14, v14  }
0x78: {  	v33 =	vperm.xlane v33, v2;
	v44 =	vnsel vm4, $0x0, v44;
	vm4 =	vge.f32 v20, v48;
	v20 =	vld [tilespmem:s31+$0xFFFFFF80];
	(xrf2) =	vadd.scan.msk.f32 $0xffff, v42;
	v54, _, _ =	vpop (xrf1)  }
0x79: {  	vm8 =	vge.f32 v29, v40;
	vm11 =	vge.f32 v31, v40;
	v55 =	vperm.xlane v26, v0;
	v25 =	vpop (erf)  }
0x7a: {  	v36 =	vmul.f32 v27, v36;
	v37 =	vmul.f32 v27, v37;
	(xrf1) =	vsort.ascd.msk.f32 $0xffff, v12, v12;
	v26 =	vpop (erf)  }
0x7b: {  	v38 =	vmul.f32 v27, v38;
	v39 =	vmul.f32 v27, v39;
	(xrf1) =	vsort.ascd.msk.f32 $0xffff, v17, v17;
	v27 =	vpop (erf)  }
0x7c: {  	vm0 =	vmmov vm0;
	v34 =	vmul.f32 v62, v34;
	v41 =	vmax.f32 v54, v55;
	(xrf1) =	vsort.ascd.msk.f32 $0xffff, v18, v18;
	v29 =	vpop (erf)  }
0x7d: {  	vm5 =	vge.f32 v53, $9.999999770e-03;
	v56 =	vadd.f32 v26, v25;
	(xrf1) =	vsort.ascd.msk.f32 $0xffff, v20, v20;
	v57 =	vadd.f32 v29, v27  }
0x7e: {  	vm7 =	vge.f32 v46, $9.999999770e-03;
	vm5 =	vmand vm4, vm5;
	vm4 =	vge.f32 v36, $9.999999770e-03;
	(xrf1) =	vsort.ascd.msk.f32 $0xffff, v41, v41  }
0x7f: {  	v31, _, _ =	vpop (xrf1);
	vm0 =	vmand vm0, vm4;
	vm4 =	vge.f32 v28, v40;
	v28 =	vadd.f32 v57, v56  }
0x80: {  	vm10 =	vge.f32 v34, $9.999999770e-03;
	vm6 =	vmand vm6, vm7;
	v31 =	vperm.xlane v31, v0  }
0x81: {  	vm7 =	vge.f32 v32, v40;
	vm9 =	vmand vm9, vm10;
	v62 =	vnsel vm6, $0x0, v46;
	v59, _, _ =	vpop (xrf1)  }
0x82: {  	v48 =	vnsel vm9, $0x0, v34;
	v60 =	vnsel vm5, $0x0, v53;
	vm12 =	vge.f32 v37, $9.999999770e-03;
	v58, _, _ =	vpop (xrf2)  }
0x83: {  	vm13 =	vge.f32 v38, $9.999999770e-03;
	vm14 =	vge.f32 v39, $9.999999770e-03;
	(xrf2) =	vadd.scan.msk.f32 $0xffff, v28;
	v32 =	vbroadcast v58, $0xF;
	v28, _, _ =	vpop (xrf1)  }
0x84: {  	vm2 =	vmand vm2, vm12;
	vm1 =	vmand vm1, vm13;
	v49 =	vmax.f32 v59, v31;
	v31, _, _ =	vpop (xrf1)  }
0x85: {  	s9 =	simm.s32 $0x10080;
	vm3 =	vmand vm3, vm14;
	v61 =	vperm.xlane v28, v1;
	(erf) = vrcp.f32 v32;
	v50, _, _ =	vpop (xrf1);
	(xrf1) =	vsort.ascd.msk.f32 $0xffff, v49, v49  }
0x86: {  	[tilespmem:s9+$0x30] =	vst v44;
	v36 =	vnsel vm0, $0x0, v36;
	v37 =	vnsel vm2, $0x0, v37;
	v38 =	vnsel vm1, $0x0, v38  }
0x87: {  	[tilespmem:s9+$0x0] =	vst v60;
	v39 =	vnsel vm3, $0x0, v39;
	v31 =	vperm.xlane v31, v0;
	v51 =	vsub.f32 v9, v61  }
0x88: {  	vm2 =	vmmov vm7;
	[tilespmem:s9+$0xFFFFFF80] =	vst v36;
	v53 =	vsub.f32 v5, v61;
	v36 =	vperm.xlane v50, v0;
	v52, _, _ =	vpop (xrf1)  }
0x89: {  	[tilespmem:s9+$0xFFFFFFA0] =	vst v38;
	v55 =	vsub.f32 v10, v61;
	v54, _, _ =	vpop (xrf1);
	v40 =	vmul.f32 $1.442695020e+00, v51;
	v58 =	vmax.f32 v52, v31  }
0x8a: {  	v42 =	vsub.f32 v6, v61;
	v44 =	vmul.f32 $1.442695020e+00, v53;
	v38 =	vperm.xlane v54, v0;
	v56, _, _ =	vpop (xrf1);
	(xrf1) =	vsort.ascd.msk.f32 $0xffff, v58, v58  }
0x8b: {  	[tilespmem:s9+$0xFFFFFFB0] =	vst v39;
	v45 =	vmul.f32 $1.442695020e+00, v55;
	v57, _, _ =	vpop (xrf1);
	(erf) = vpow2.f32 v40;
	v39 =	vmax.f32 v56, v36  }
0x8c: {  	v59 =	vmul.f32 $1.442695020e+00, v42;
	v31, _, _ =	vpop (xrf1);
	(erf) = vpow2.f32 v44;
	v38 =	vmax.f32 v57, v38;
	(xrf1) =	vsort.ascd.msk.f32 $0xffff, v39, v39  }
0x8d: {  	vm0 =	vmmov vm8;
	v60 =	vperm.xlane v31, v1;
	(erf) = vpow2.f32 v45;
	v61, _, _ =	vpop (xrf2);
	(xrf1) =	vsort.ascd.msk.f32 $0xffff, v38, v38  }
0x8e: {  	[tilespmem:s9+$0x10] =	vst v62;
	vm1 =	vmmov vm11;
	(erf) = vpow2.f32 v59;
	v62 =	vbroadcast v61, $0xF;
	v34 =	vpop (erf)  }
0x8f: {  	vm3 =	vmmov vm4;
	vm4 =	vge.f32 v30, v33;
	v32 =	vmul.f32 v34, v35  }
0x90: {  	[tilespmem:s9+$0xFFFFFF90] =	vst v37;
	v36 =	vsub.f32 v21, v60;
	v37 =	vsub.f32 v15, v60;
	(erf) = vrcp.f32 v62  }
0x91: {  	s10 =	simm.s32 $0x6;
	s11 =	simm.s32 $0x480;
	[tilespmem:s9+$0x20] =	vst v48;
	v38 =	vsub.f32 v11, v60;
	v35 =	vsub.f32 v16, v60;
	vm5 =	vge.f32 v32, $9.999999770e-03  }
.LBB2_2:
0x92: {  	v30 =	vld [tilespmem:s11+$0x30];
	v36 =	vmul.f32 $1.442695020e+00, v36;
	v37 =	vmul.f32 $1.442695020e+00, v37;
	vm4 =	vmand vm4, vm5  }
0x93: {  	v35 =	vmul.f32 $1.442695020e+00, v35;
	s9 =	sadd.s32 $0x100, s9;
	v39 =	vld [tilespmem:s11+$0xFFFFFFB0];
	v40, _, _ =	vpop (xrf1);
	v38 =	vmul.f32 $1.442695020e+00, v38;
	v32 =	vnsel vm4, $0x0, v32  }
0x94: {  	vm4 =	vge.f32 v19, v33;
	v41 =	vld [tilespmem:s11+$0x20];
	(erf) = vpow2.f32 v36;
	v36 =	vmul.f32 v34, v22;
	v22 =	vpop (erf);
	[tilespmem:s9+$0x30] =	vst v32  }
0x95: {  	vm5 =	vge.f32 v13, v33;
	v19 =	vld [tilespmem:s11+$0xFFFFFF90];
	(erf) = vpow2.f32 v37;
	v37 =	vmul.f32 v34, v23;
	v23 =	vpop (erf)  }
0x96: {  	v13 =	vmul.f32 v34, v24;
	v42 =	vld [tilespmem:s11+$0x10];
	(erf) = vpow2.f32 v35;
	v24 =	vpop (erf);
	vm6 =	vge.f32 v36, $9.999999770e-03  }
0x97: {  	v35 =	vperm.xlane v40, v0;
	v34 =	vld [tilespmem:s11+$0xFFFFFFA0];
	(xrf1) =	vsort.ascd.msk.f32 $0xffff, v30, v30;
	(erf) = vpow2.f32 v38;
	v32 =	vpop (erf);
	vm7 =	vge.f32 v37, $9.999999770e-03  }
0x98: {  	s10 =	sadd.s32 $0x2, s10;
	v31 =	vperm.xlane v31, v2;
	v43 =	vadd.f32 v23, v22;
	v38 =	vld [tilespmem:s11+$0xFFFFFF80];
	v40, _, _ =	vpop (xrf1);
	v44 =	vadd.f32 v32, v24  }
0x99: {  	vm10 =	vge.f32 v3, v33;
	p0 =	slt.u32 s10, $0x1FE;
	vm11 =	vge.f32 v13, $9.999999770e-03;
	v45 =	vld [tilespmem:s11+$0x0];
	(xrf1) =	vsort.ascd.msk.f32 $0xffff, v41, v41;
	v35 =	vmax.f32 v40, v35;
	v3 =	vpop (erf)  }
0x9a: {  	vm8 =	vmand vm4, vm6;
	v33, _, _ =	vpop (xrf1);
	(xrf1) =	vsort.ascd.msk.f32 $0xffff, v35, v35;
	v35 =	vadd.f32 v44, v43;
	v40 =	vmul.f32 v3, v25  }
0x9b: {  	vm9 =	vmand vm5, vm7;
	v43 =	vmul.f32 v3, v26;
	(xrf1) =	vsort.ascd.msk.f32 $0xffff, v42, v42;
	v46 =	vperm.xlane v33, v0;
	v33, _, _ =	vpop (xrf1)  }
0x9c: {  	v44 =	vmul.f32 v3, v29;
	(xrf2) =	vadd.scan.msk.f32 $0xffff, v35;
	v35 =	vmul.f32 v3, v27;
	vm7 =	vge.f32 v40, $9.999999770e-03;
	v3 =	vmovc v10  }
0x9d: {  	vm4 =	vge.f32 v21, v31;
	vm12 =	vge.f32 v43, $9.999999770e-03;
	(xrf1) =	vsort.ascd.msk.f32 $0xffff, v39, v39;
	v10 =	vmax.f32 v33, v46;
	v25 =	vpop (erf)  }
0x9e: {  	vm5 =	vge.f32 v15, v31;
	vm14 =	vge.f32 v44, $9.999999770e-03;
	(xrf1) =	vsort.ascd.msk.f32 $0xffff, v45, v45;
	v26 =	vpop (erf);
	vm13 =	vge.f32 v35, $9.999999770e-03  }
0x9f: {  	vm6 =	vge.f32 v16, v31;
	vm2 =	vmand vm2, vm7;
	(xrf1) =	vsort.ascd.msk.f32 $0xffff, v19, v19;
	v15 =	vadd.f32 v26, v25;
	v27 =	vpop (erf)  }
0xa0: {  	vm7 =	vge.f32 v11, v31;
	vm0 =	vmand vm0, vm12;
	vm1 =	vmand vm1, vm13;
	(xrf1) =	vsort.ascd.msk.f32 $0xffff, v34, v34;
	v29 =	vpop (erf)  }
0xa1: {  	vm10 =	vmand vm10, vm11;
	vm3 =	vmand vm3, vm14;
	v11 =	vmovc v14;
	(xrf1) =	vsort.ascd.msk.f32 $0xffff, v38, v38;
	v16 =	vadd.f32 v29, v27  }
0xa2: {  	v14 =	vmovc v39;
	v40 =	vnsel vm2, $0x0, v40;
	v21 =	vnsel vm0, $0x0, v43;
	v31 =	vnsel vm1, $0x0, v35;
	(xrf1) =	vsort.ascd.msk.f32 $0xffff, v10, v10  }
0xa3: {  	v36 =	vnsel vm8, $0x0, v36;
	v35 =	vnsel vm3, $0x0, v44;
	v10 =	vmovc v4;
	v4 =	vmovc v41;
	v33 =	vadd.f32 v16, v15;
	[tilespmem:s9+$0xFFFFFF80] =	vst v40  }
0xa4: {  	v37 =	vnsel vm9, $0x0, v37;
	v39 =	vnsel vm10, $0x0, v13;
	v13 =	vmovc v5;
	v15 =	vmovc v17;
	v17 =	vmov v19;
	[tilespmem:s9+$0xFFFFFF90] =	vst v21  }
0xa5: {  	v5 =	vmov v8;
	v8 =	vmov v42;
	v19, _, _ =	vpop (xrf1);
	[tilespmem:s9+$0xFFFFFFA0] =	vst v31;
	v16 =	vmov v18  }
0xa6: {  	v21 =	vmov v20;
	v18 =	vmov v34;
	v40 =	vperm.xlane v19, v0;
	v31, _, _ =	vpop (xrf2);
	[tilespmem:s9+$0xFFFFFFB0] =	vst v35  }
0xa7: {  	v20 =	vmov v38;
	v34, _, _ =	vpop (xrf1);
	v31 =	vbroadcast v31, $0xF;
	(xrf2) =	vadd.scan.msk.f32 $0xffff, v33;
	[tilespmem:s9+$0x0] =	vst v36  }
0xa8: {  	v19 =	vmov v9;
	v9 =	vmov v12;
	v33 =	vmax.f32 v34, v40;
	v35, _, _ =	vpop (xrf1);
	[tilespmem:s9+$0x10] =	vst v37  }
0xa9: {  	v34, _, _ =	vpop (xrf1);
	(xrf1) =	vsort.ascd.msk.f32 $0xffff, v33, v33;
	v33 =	vperm.xlane v35, v1;
	(erf) = vrcp.f32 v31;
	[tilespmem:s9+$0x20] =	vst v39  }
0xaa: {  	vm2 =	vmmov vm4;
	vm0 =	vmmov vm5;
	vm1 =	vmmov vm6;
	v12 =	vmovc v45  }
0xab: {  	vm3 =	vmmov vm7;
	v31 =	vperm.xlane v34, v0;
	v34, _, _ =	vpop (xrf1);
	v36 =	vsub.f32 v9, v33  }
0xac: {  	v38 =	vsub.f32 v5, v33;
	v41 =	vperm.xlane v34, v0;
	v37, _, _ =	vpop (xrf1)  }
0xad: {  	v39 =	vsub.f32 v10, v33;
	v31 =	vmax.f32 v37, v31;
	v37, _, _ =	vpop (xrf1);
	v36 =	vmul.f32 $1.442695020e+00, v36  }
0xae: {  	v42 =	vsub.f32 v7, v33;
	v38 =	vmul.f32 $1.442695020e+00, v38;
	v37 =	vperm.xlane v37, v0;
	v40, _, _ =	vpop (xrf1);
	(xrf1) =	vsort.ascd.msk.f32 $0xffff, v31, v31  }
0xaf: {  	v39 =	vmul.f32 $1.442695020e+00, v39;
	v33 =	vmax.f32 v40, v41;
	v34, _, _ =	vpop (xrf1);
	(erf) = vpow2.f32 v36  }
0xb0: {  	v36 =	vmax.f32 v34, v37;
	(xrf1) =	vsort.ascd.msk.f32 $0xffff, v33, v33;
	v33 =	vmul.f32 $1.442695020e+00, v42;
	v31, _, _ =	vpop (xrf1);
	(erf) = vpow2.f32 v38  }
.Ltmp0:
0xb1: {  	(xrf1) =	vsort.ascd.msk.f32 $0xffff, v36, v36;
	v38 =	vperm.xlane v31, v1;
	(erf) = vpow2.f32 v39;
	v34, _, _ =	vpop (xrf2);
	(pc) =	sbr.rel @p0 .LBB2_2-.Ltmp0, $4  }
0xb2: {  	(erf) = vpow2.f32 v33;
	v39 =	vbroadcast v34, $0xF;
	v34 =	vpop (erf)  }
0xb3: {  	v33 =	vperm.xlane v28, v2;
	v28 =	vmovc v35;
	v36 =	vsub.f32 v21, v38;
	v32 =	vmul.f32 v34, v32  }
0xb4: {  	v37 =	vsub.f32 v15, v38;
	v35 =	vsub.f32 v16, v38;
	(erf) = vrcp.f32 v39  }
0xb5: {  	s11 =	sadd.s32 $0x100, s11;
	v38 =	vsub.f32 v11, v38;
	vm4 =	vge.f32 v6, v33;
	v6 =	vmovc v7;
	v7 =	vmovc v30;
	vm5 =	vge.f32 v32, $9.999999770e-03  }
0xb6: {  	_ = 	snop  }
0xb7: {  	v30 =	vmul.f32 $1.442695020e+00, v36  }
0xb8: {  	v47 =	vmul.f32 $1.442695020e+00, v37  }
0xb9: {  	v35 =	vmul.f32 $1.442695020e+00, v35;
	v48, _, _ =	vpop (xrf1);
	(erf) = vpow2.f32 v30  }
0xba: {  	v49 =	vmul.f32 $1.442695020e+00, v38;
	v39 =	vpop (erf);
	(erf) = vpow2.f32 v47  }
0xbb: {  	v50 =	vperm.xlane v48, v0;
	v40 =	vpop (erf);
	(erf) = vpow2.f32 v35  }
0xbc: {  	(erf) = vpow2.f32 v49;
	v51, _, _ =	vpop (xrf1)  }
0xbd: {  	v41 =	vpop (erf);
	v30 =	vmax.f32 v51, v50  }
0xbe: {  	v42 =	vpop (erf);
	(xrf1) =	vsort.ascd.msk.f32 $0xffff, v30, v30  }
0xbf: {  	v52, _, _ =	vpop (xrf1)  }
0xc0: {  	v53 =	vadd.f32 v40, v39;
	v54 =	vadd.f32 v42, v41;
	v43 =	vpop (erf);
	v30 =	vperm.xlane v52, v0  }
0xc1: {  	v55, _, _ =	vpop (xrf1)  }
0xc2: {  	v35 =	vadd.f32 v54, v53;
	v30 =	vmax.f32 v55, v30;
	v44 =	vpop (erf)  }
0xc3: {  	v45 =	vpop (erf);
	(xrf1) =	vsort.ascd.msk.f32 $0xffff, v30, v30  }
0xc4: {  	(xrf2) =	vadd.scan.msk.f32 $0xffff, v35;
	v46 =	vpop (erf)  }
0xc5: {  	v38 =	vpop (erf)  }
0xc6: {  	v56 =	vadd.f32 v45, v44;
	v57 =	vadd.f32 v38, v46;
	_ =	sdelay $0x1  }
0xc7: {  	v30 =	vadd.f32 v57, v56;
	_ =	sdelay $0x1  }
0xc8: {  	(xrf2) =	vadd.scan.msk.f32 $0xffff, v30;
	_ =	sdelay $0x1  }
0xc9: {  	v30, _, _ =	vpop (xrf1)  }
0xca: {  	v58 =	vperm.xlane v30, v1  }
0xcb: {  	v59, _, _ =	vpop (xrf2)  }
0xcc: {  	v36 =	vbroadcast v59, $0xF;
	v60 =	vsub.f32 v12, v58  }
0xcd: {  	v47 =	vsub.f32 v8, v58  }
0xce: {  	(erf) = vrcp.f32 v36;
	v62 =	vsub.f32 v4, v58;
	v48, _, _ =	vpop (xrf1);
	v61 =	vmul.f32 $1.442695020e+00, v60  }
0xcf: {  	v35 =	vsub.f32 v7, v58;
	v47 =	vmul.f32 $1.442695020e+00, v47;
	v49 =	vperm.xlane v48, v1  }
0xd0: {  	v37 =	vmul.f32 $1.442695020e+00, v62;
	(erf) = vpow2.f32 v61  }
0xd1: {  	v35 =	vmul.f32 $1.442695020e+00, v35;
	v52, _, _ =	vpop (xrf2);
	v53 =	vsub.f32 v20, v49;
	(erf) = vpow2.f32 v47  }
0xd2: {  	v54 =	vsub.f32 v17, v49;
	v36 =	vbroadcast v52, $0xF;
	(erf) = vpow2.f32 v37  }
0xd3: {  	v55 =	vsub.f32 v18, v49;
	v47 =	vmul.f32 $1.442695020e+00, v53;
	(erf) = vpow2.f32 v35  }
0xd4: {  	v56 =	vsub.f32 v14, v49;
	v37 =	vmul.f32 $1.442695020e+00, v54;
	(erf) = vrcp.f32 v36  }
0xd5: {  	v35 =	vmul.f32 $1.442695020e+00, v55;
	(erf) = vpow2.f32 v47  }
0xd6: {  	v36 =	vmul.f32 $1.442695020e+00, v56;
	(erf) = vpow2.f32 v37  }
0xd7: {  	(erf) = vpow2.f32 v35  }
0xd8: {  	v22 =	vmul.f32 v34, v22;
	v47 =	vpop (erf);
	(erf) = vpow2.f32 v36  }
0xd9: {  	vm13 =	vge.f32 v19, v33;
	v19 =	vmul.f32 v34, v23;
	vm14 =	vge.f32 v13, v33;
	v37 =	vpop (erf)  }
0xda: {  	v13 =	vmul.f32 v34, v24;
	vm12 =	vge.f32 v3, v33;
	vm4 =	vmand vm4, vm5;
	v36 =	vpop (erf)  }
0xdb: {  	vm15 =	vge.f32 v22, $9.999999770e-03;
	vm5 =	vge.f32 v19, $9.999999770e-03;
	v3 =	vmul.f32 v43, v25;
	v35 =	vpop (erf)  }
0xdc: {  	v50 =	vnsel vm4, $0x0, v32;
	vm4 =	vmand vm13, vm15;
	v27 =	vmul.f32 v43, v27;
	v23 =	vpop (erf)  }
0xdd: {  	v29 =	vmul.f32 v43, v29;
	vm13 =	vge.f32 v3, $9.999999770e-03;
	v57 =	vperm.xlane v31, v2;
	v31 =	vpop (erf)  }
0xde: {  	v58 =	vmul.f32 v43, v26;
	v59 =	vadd.f32 v36, v37;
	v60 =	vadd.f32 v23, v35;
	v26 =	vpop (erf)  }
0xdf: {  	vm5 =	vmand vm14, vm5;
	vm15 =	vge.f32 v29, $9.999999770e-03;
	vm2 =	vmand vm2, vm13;
	v49 =	vpop (erf)  }
0xe0: {  	vm13 =	vge.f32 v27, $9.999999770e-03;
	vm9 =	vge.f32 v15, v57;
	v62 =	vadd.f32 v60, v59;
	v15 =	vpop (erf)  }
0xe1: {  	vm1 =	vmand vm1, vm13;
	vm13 =	vmand vm3, vm15;
	v61 =	vperm.xlane v28, v2;
	v28 =	vpop (erf)  }
0xe2: {  	vm15 =	vge.f32 v13, $9.999999770e-03;
	v33 =	vadd.f32 v49, v26;
	(xrf2) =	vadd.scan.msk.f32 $0xffff, v62;
	v34 =	vadd.f32 v28, v15  }
0xe3: {  	v19 =	vnsel vm5, $0x0, v19;
	vm12 =	vmand vm12, vm15  }
0xe4: {  	v3 =	vnsel vm2, $0x0, v3;
	v13 =	vnsel vm12, $0x0, v13;
	v43 =	vadd.f32 v34, v33  }
0xe5: {  	vm8 =	vge.f32 v21, v57;
	vm7 =	vge.f32 v16, v57;
	vm14 =	vge.f32 v58, $9.999999770e-03  }
0xe6: {  	vm10 =	vge.f32 v11, v57;
	vm2 =	vmmov vm9;
	vm14 =	vmand vm0, vm14;
	(xrf2) =	vadd.scan.msk.f32 $0xffff, v43  }
0xe7: {  	vm5 =	vmmov vm7;
	vm7 =	vmmov vm10;
	v51 =	vnsel vm14, $0x0, v58  }
0xe8: {  	v52 =	vnsel vm1, $0x0, v27;
	vm11 =	vge.f32 v6, v61;
	vm6 =	vge.f32 v9, v61  }
0xe9: {  	vm3 =	vge.f32 v5, v61;
	vm0 =	vge.f32 v10, v61;
	v54 =	vmul.f32 v47, v42  }
0xea: {  	v53 =	vnsel vm13, $0x0, v29;
	v55 =	vmul.f32 v47, v39;
	v57 =	vmul.f32 v47, v40  }
0xeb: {  	v56 =	vnsel vm4, $0x0, v22;
	vm4 =	vmmov vm8;
	v58 =	vmul.f32 v47, v41  }
0xec: {  	vm12 =	vge.f32 v54, $9.999999770e-03;
	vm13 =	vge.f32 v55, $9.999999770e-03;
	vm14 =	vge.f32 v57, $9.999999770e-03;
	v59, _, _ =	vpop (xrf2)  }
0xed: {  	vm9 =	vge.f32 v58, $9.999999770e-03;
	vm1 =	vmand vm11, vm12;
	v25 =	vbroadcast v59, $0xF  }
0xee: {  	vm3 =	vmand vm3, vm14;
	vm0 =	vmand vm0, vm9;
	v11 =	vnsel vm1, $0x0, v54  }
0xef: {  	s9 =	sadd.s32 $0x100, s9;
	vm1 =	vmand vm6, vm13;
	v61 =	vmul.f32 v31, v44;
	(erf) = vrcp.f32 v25  }
0xf0: {  	[tilespmem:s9+$0xFFFFFF80] =	vst v3;
	v47 =	vnsel vm3, $0x0, v57;
	v40 =	vmul.f32 v31, v46;
	v3 =	vmul.f32 v31, v38;
	v39, _, _ =	vpop (xrf2)  }
0xf1: {  	[tilespmem:s9+$0x10] =	vst v19;
	v44 =	vperm.xlane v30, v2;
	v46 =	vnsel vm1, $0x0, v55;
	v32 =	vbroadcast v39, $0xF  }
0xf2: {  	[tilespmem:s9+$0x30] =	vst v50;
	v60 =	vperm.xlane v48, v2;
	v48 =	vnsel vm0, $0x0, v58;
	vm8 =	vge.f32 v61, $9.999999770e-03  }
0xf3: {  	[tilespmem:s9+$0x20] =	vst v13;
	vm12 =	vge.f32 v40, $9.999999770e-03;
	vm13 =	vge.f32 v3, $9.999999770e-03;
	(erf) = vrcp.f32 v32  }
0xf4: {  	[tilespmem:s9+$0xFFFFFF90] =	vst v51;
	v62 =	vmul.f32 v31, v45;
	vm10 =	vge.f32 v20, v60;
	vm6 =	vge.f32 v17, v60  }
0xf5: {  	[tilespmem:s9+$0xFFFFFFA0] =	vst v52;
	vm14 =	vge.f32 v18, v60;
	vm4 =	vmand vm4, vm8;
	vm15 =	vge.f32 v14, v60  }
0xf6: {  	[tilespmem:s9+$0xFFFFFFB0] =	vst v53;
	vm5 =	vmand vm5, vm12;
	vm7 =	vmand vm7, vm13;
	v41 =	vnsel vm4, $0x0, v61  }
0xf7: {  	[tilespmem:s9+$0x0] =	vst v56;
	s9 =	sadd.s32 $0x100, s9;
	v9 =	vnsel vm5, $0x0, v40;
	v3 =	vnsel vm7, $0x0, v3;
	vm0 =	vmmov vm10  }
0xf8: {  	[tilespmem:s9+$0x30] =	vst v11;
	vm10 =	vge.f32 v7, v44;
	vm12 =	vmmov vm6;
	vm11 =	vge.f32 v62, $9.999999770e-03;
	v43 =	vpop (erf)  }
0xf9: {  	[tilespmem:s9+$0x10] =	vst v47;
	vm13 =	vmmov vm14;
	vm2 =	vmand vm2, vm11;
	v45 =	vmul.f32 v43, v23  }
0xfa: {  	[tilespmem:s9+$0x0] =	vst v46;
	vm5 =	vge.f32 v8, v44;
	v42 =	vnsel vm2, $0x0, v62;
	v51 =	vmul.f32 v43, v37  }
0xfb: {  	[tilespmem:s9+$0xFFFFFFB0] =	vst v3;
	vm2 =	vmmov vm15;
	v3 =	vmul.f32 v43, v36;
	vm11 =	vge.f32 v45, $9.999999770e-03  }
0xfc: {  	[tilespmem:s9+$0x20] =	vst v48;
	v54 =	vmul.f32 v43, v35;
	vm6 =	vge.f32 v51, $9.999999770e-03;
	vm1 =	vmand vm10, vm11;
	v52 =	vpop (erf)  }
0xfd: {  	[tilespmem:s9+$0xFFFFFF80] =	vst v41;
	v50 =	vnsel vm1, $0x0, v45;
	vm1 =	vge.f32 v12, v44;
	v53 =	vmul.f32 v52, v26  }
0xfe: {  	[tilespmem:s9+$0xFFFFFFA0] =	vst v9;
	v55 =	vmul.f32 v52, v49;
	v56 =	vmul.f32 v52, v15;
	vm1 =	vmand vm1, vm6  }
0xff: {  	[tilespmem:s9+$0xFFFFFF90] =	vst v42;
	s9 =	sadd.s32 $0x100, s9;
	v7 =	vmul.f32 v52, v28;
	v61 =	vnsel vm1, $0x0, v51;
	vm14 =	vge.f32 v53, $9.999999770e-03  }
0x100: {  	[tilespmem:s9+$0x30] =	vst v50;
	vm15 =	vge.f32 v55, $9.999999770e-03;
	vm11 =	vge.f32 v56, $9.999999770e-03;
	vm0 =	vmand vm0, vm14  }
0x101: {  	[tilespmem:s9+$0x0] =	vst v61;
	vm3 =	vmand vm12, vm15;
	vm12 =	vge.f32 v7, $9.999999770e-03;
	v57 =	vnsel vm0, $0x0, v53  }
0x102: {  	vm4 =	vmand vm13, vm11;
	vm13 =	vge.f32 v3, $9.999999770e-03;
	v58 =	vnsel vm3, $0x0, v55;
	[tilespmem:s9+$0xFFFFFF80] =	vst v57  }
0x103: {  	vm14 =	vge.f32 v4, v44;
	vm0 =	vmand vm2, vm12;
	v59 =	vnsel vm4, $0x0, v56;
	[tilespmem:s9+$0xFFFFFF90] =	vst v58  }
0x104: {  	vm15 =	vge.f32 v54, $9.999999770e-03;
	vm3 =	vmand vm5, vm13;
	v60 =	vnsel vm0, $0x0, v7;
	[tilespmem:s9+$0xFFFFFFA0] =	vst v59  }
0x105: {  	s8 =	sadd.s32 $0x1, s8;
	vm0 =	vmand vm14, vm15;
	v3 =	vnsel vm3, $0x0, v3;
	[tilespmem:s9+$0xFFFFFFB0] =	vst v60  }
0x106: {  	p0 =	sne.s32 s8, s5;
	v62 =	vnsel vm0, $0x0, v54;
	[tilespmem:s9+$0x10] =	vst v3  }
.Ltmp1:
0x107: {  	[tilespmem:s9+$0x20] =	vst v62;
	(pc) =	sbr.rel @p0 .LBB2_1-.Ltmp1, $4  }
0x108: {  	[hbm4b:s4+s2] =	stream.linear.scatter [tilespmem:s7], [sflag:$0x1], $0x10000, $0x38;
	v63 =	vld [tilespmem:$0x0]  }
0x109: {  	_ =	swait.ge [sflag:s6], $0x10000  }
0x10a: {  	[sflag:s6] =	ssyncset.done $0x0  }
0x10b: {  	[sflag:s6] =	ssyncadd.s32 $0xFFFF0000  }
0x10c: {  	_ =	sfence.sel $0x180000  }
0x10d: {  	[bflag:$0x0] =	sbarrier.arrive $0xFFFF  }
0x10e: {  	p0 =	sne.s32 s1, $0x0;
	_ =	strace $0x90000047  }
0x10f: {  	s0 =	sadd.s32 @!p0 $0x100000, s0;
	[bflag:$0x2] =	sbarrier.arrive $0xFFFF  }
0x110: {  	[sflag:s0] =	ssyncadd.tile.s32 @!p0 $0x1;
	_ =	shalt  }
.Lfunc_end2:
_tile_overlayer_lowered:
.L_overlay_start_2:
0x111: {  	(tag) =	ssettag $0x2  }
0x112: {  	s0 =	rddreg [dreg:$0x0];
	s2 =	stileid.u32  }
0x113: {  	s1 =	rddreg [dreg:$0x1];
	p0 =	sne.s32 s2, $0x0  }
0x114: {  	s3 =	rddreg [dreg:$0x2];
	[bflag:$0x3] =	sbarrier.arrive $0xFFFF;
	s2 =	simm.s32 @!p0 $0x1C01  }
0x115: {  	[timem:s3], [sflag:s2] =	dma.local @!p0 [hbm:s0], s1  }
0x116: {  	s0 =	simm.s32 @!p0 $0x1  }
0x117: {  	_ =	swait.ge @!p0 [sflag:s0], s1  }
0x118: {  	s1 =	ssub.s32 @!p0 $0x0, s1;
	[sflag:s0] =	ssyncset.done @!p0 $0x0  }
0x119: {  	[sflag:s0] =	ssyncadd.s32 @!p0 s1  }
0x11a: {  	[bflag:$0x3] =	sbarrier.arrive $0xFFFF  }
0x11b: {  	_ =	shalt  }

</sc_bundles>
